<compile_context>
chip_gen: v7x
topology: tpu7x:2x2x1
jax: 0.10.2.dev20260603
libtpu: 0.0.44.dev20260713+nightly
codegen_flags: <defaults>
</compile_context>

<pallas_src>
import jax
import jax.numpy as jnp
from jax import lax
from jax.experimental import pallas as pl
from jax.experimental.pallas import tpu as pltpu
from jax.experimental.pallas import tpu_sc as plsc

N_NODES = 10000
N_EDGES = 320000
EDGE_DIM = 16
NODE_DIM = 128

NC = 2
NS = 16
NW = NC * NS
BATCH = 128
NPAD = 128
ROWS_PAD = NW * 80
RPW = 80
CHUNK_R = 20
N_CHUNKS = RPW // CHUNK_R
CHUNK_E = CHUNK_R * BATCH
ACC_ROWS = N_NODES + NPAD
ZPT = ACC_ROWS // NS
ROWS_PER_TILE = N_NODES // NS
EA_RPW = RPW * BATCH * EDGE_DIM // 128
EA_RPC = CHUNK_E * EDGE_DIM // 128


def _zero_acc(z2d, acc, s):
    z16 = jnp.zeros((16,), jnp.float32)

    def fill_z(i, carry):
        z2d[i, :] = z16
        return carry

    lax.fori_loop(0, ZPT, fill_z, 0)
    pltpu.sync_copy(z2d, acc.at[pl.ds(s * ZPT, ZPT)])


def _sc_counts_body(idx_hbm, out_cnts, ibuf, ones_v, z2d, cnts_sh):
    c = lax.axis_index("c")
    s = lax.axis_index("s")
    w = c * NS + s

    o16 = jnp.ones((16,), jnp.float32)

    def fill_o(i, carry):
        ones_v[i, :] = o16
        return carry

    lax.fori_loop(0, BATCH, fill_o, 0)

    _zero_acc(z2d, cnts_sh, s)
    pltpu.sync_copy(idx_hbm.at[pl.ds(w * RPW, RPW)], ibuf)
    plsc.subcore_barrier()

    def scat(b, carry):
        pltpu.sync_copy(ones_v, cnts_sh.at[ibuf.at[b]], add=True)
        return carry

    lax.fori_loop(0, RPW, scat, 0)
    plsc.subcore_barrier()

    pltpu.sync_copy(cnts_sh.at[pl.ds(s * ROWS_PER_TILE, ROWS_PER_TILE)],
                    out_cnts.at[c, s])


def _sc_sums_body(idx_hbm, eattr_hbm, out_sums, ibuf, ebuf128, ebuf, z2d,
                  sums_sh):
    c = lax.axis_index("c")
    s = lax.axis_index("s")
    w = c * NS + s

    _zero_acc(z2d, sums_sh, s)
    pltpu.sync_copy(idx_hbm.at[pl.ds(w * RPW, RPW)], ibuf)
    plsc.subcore_barrier()

    max_rbase = eattr_hbm.shape[0] - EA_RPC
    for k in range(N_CHUNKS):
        rbase = jnp.minimum(w * EA_RPW + k * EA_RPC, max_rbase)
        pltpu.sync_copy(eattr_hbm.at[pl.ds(rbase, EA_RPC)], ebuf128)

        def repack_e(r, carry):
            for j in range(8):
                ebuf[r * 8 + j, :] = ebuf128[r, pl.ds(j * 16, 16)]
            return carry

        lax.fori_loop(0, EA_RPC, repack_e, 0)

        def scat(b, carry):
            pltpu.sync_copy(ebuf.at[pl.ds(b * BATCH, BATCH)],
                            sums_sh.at[ibuf.at[k * CHUNK_R + b]], add=True)
            return carry

        lax.fori_loop(0, CHUNK_R, scat, 0)

    plsc.subcore_barrier()

    pltpu.sync_copy(sums_sh.at[pl.ds(s * ROWS_PER_TILE, ROWS_PER_TILE)],
                    out_sums.at[c, s])


_MESH = dict(core_axis_name="c", subcore_axis_name="s")
_PARTIAL = jax.ShapeDtypeStruct((NC, NS, ROWS_PER_TILE, EDGE_DIM), jnp.float32)
_PARAMS = pltpu.CompilerParams(use_tc_tiling_on_sc=False)


@jax.jit
def _sc_counts(idx_pad):
    f = pl.kernel(
        _sc_counts_body,
        out_type=_PARTIAL,
        mesh=plsc.VectorSubcoreMesh(**_MESH),
        compiler_params=_PARAMS,
        scratch_types=[
            pltpu.VMEM((RPW, BATCH), jnp.int32),
            pltpu.VMEM((BATCH, EDGE_DIM), jnp.float32),
            pltpu.VMEM((ZPT, EDGE_DIM), jnp.float32),
            pltpu.VMEM_SHARED((ACC_ROWS, EDGE_DIM), jnp.float32),
        ],
    )
    return f(idx_pad)


@jax.jit
def _sc_sums(idx_pad, eattr128):
    f = pl.kernel(
        _sc_sums_body,
        out_type=_PARTIAL,
        mesh=plsc.VectorSubcoreMesh(**_MESH),
        compiler_params=_PARAMS,
        scratch_types=[
            pltpu.VMEM((RPW, BATCH), jnp.int32),
            pltpu.VMEM((EA_RPC, 128), jnp.float32),
            pltpu.VMEM((CHUNK_E, EDGE_DIM), jnp.float32),
            pltpu.VMEM((ZPT, EDGE_DIM), jnp.float32),
            pltpu.VMEM_SHARED((ACC_ROWS, EDGE_DIM), jnp.float32),
        ],
    )
    return f(idx_pad, eattr128)


def _tc_mlp_body(x_ref, sums_ref, cnts_ref, w1a_ref, w1b_ref, b1_ref,
                 w2_ref, b2_ref, w3_ref, b3_ref, wo_ref, bo_ref,
                 g_ref, bt_ref, out_ref):
    sums = sums_ref[0] + sums_ref[1]
    cnt = cnts_ref[0, :, 0:1] + cnts_ref[1, :, 0:1]
    agg = sums / jnp.maximum(cnt, 1.0)

    g = g_ref[...]
    bt = bt_ref[...]

    h = (jnp.dot(x_ref[...], w1a_ref[...], preferred_element_type=jnp.float32)
         + jnp.dot(agg, w1b_ref[...], preferred_element_type=jnp.float32)
         + b1_ref[...])

    for w_ref, b_ref in ((w2_ref, b2_ref), (w3_ref, b3_ref), (None, None)):
        h = jnp.maximum(h, 0.0)
        mu = jnp.mean(h, axis=0, keepdims=True)
        d = h - mu
        var = jnp.mean(d * d, axis=0, keepdims=True)
        h = g * d / jnp.sqrt(var + 1e-5) + bt
        if w_ref is not None:
            h = jnp.dot(h, w_ref[...], preferred_element_type=jnp.float32) + b_ref[...]

    out_ref[...] = (jnp.dot(h, wo_ref[...], preferred_element_type=jnp.float32)
                    + bo_ref[...])


@jax.jit
def _tc_mlp(x, sums, cnts, w1a, w1b, b1, w2, b2, w3, b3, wo, bo, g, bt):
    return pl.pallas_call(
        _tc_mlp_body,
        out_shape=jax.ShapeDtypeStruct((N_NODES, 64), jnp.float32),
    )(x, sums, cnts, w1a, w1b, b1, w2, b2, w3, b3, wo, bo, g, bt)


def kernel(x, edge_index, edge_attr, W1, b1, W2, b2, W3, b3, Wout, bout,
           gamma, beta):
    n_fake = ROWS_PAD * BATCH - N_EDGES
    sentinel = N_NODES + jnp.arange(n_fake, dtype=jnp.int32) % NPAD
    idx_pad = jnp.concatenate(
        [edge_index[0].astype(jnp.int32), sentinel]).reshape(ROWS_PAD, BATCH)
    cnts = _sc_counts(idx_pad)

    ea128 = edge_attr.reshape(N_EDGES // 8, 8 * EDGE_DIM)
    sums = _sc_sums(idx_pad, ea128)

    sums = sums.reshape(NC, N_NODES, EDGE_DIM)
    cnts = cnts.reshape(NC, N_NODES, EDGE_DIM)
    r = lambda v: v.reshape(1, -1)
    return _tc_mlp(x, sums, cnts, W1[:NODE_DIM], W1[NODE_DIM:], r(b1),
                   W2, r(b2), W3, r(b3), Wout, r(bout), r(gamma), r(beta))

# --- scband reference (transcript-rebuilt; emitter-appended) ---
"""Pipeline reference for scband-mlpwith-edge-70892730187950 (READ-ONLY COPY).

The authoritative reference and input builder live on the scoring server;
editing this copy changes nothing except your own understanding.
"""

import jax, jax.numpy as jnp
import numpy as np

N_NODES = 10000
N_EDGES = 320000
NODE_DIM = 128
EDGE_DIM = 16
HIDDEN = [64, 64, 64]
LATENT = 64


def setup_inputs(seed: int = 0) -> dict:
    key = jax.random.key(seed)
    ks = jax.random.split(key, 16)
    x = jax.random.normal(ks[0], (N_NODES, NODE_DIM), dtype=jnp.float32)
    edge_index = jax.random.randint(ks[1], (2, N_EDGES), 0, N_NODES, dtype=jnp.int64 if jax.config.jax_enable_x64 else jnp.int32)
    edge_attr = jax.random.normal(ks[2], (N_EDGES, EDGE_DIM), dtype=jnp.float32)
    in_dim = NODE_DIM + EDGE_DIM
    dims = [in_dim] + HIDDEN
    params = {}
    for i in range(len(HIDDEN)):
        fan_in = dims[i]
        bound = 1.0 / np.sqrt(fan_in)
        params[f'W{i+1}'] = jax.random.uniform(ks[3 + 2 * i], (dims[i], dims[i + 1]), minval=-bound, maxval=bound, dtype=jnp.float32)
        params[f'b{i+1}'] = jax.random.uniform(ks[4 + 2 * i], (dims[i + 1],), minval=-bound, maxval=bound, dtype=jnp.float32)
    bound = 1.0 / np.sqrt(HIDDEN[-1])
    params['Wout'] = jax.random.uniform(ks[10], (HIDDEN[-1], LATENT), minval=-bound, maxval=bound, dtype=jnp.float32)
    params['bout'] = jax.random.uniform(ks[11], (LATENT,), minval=-bound, maxval=bound, dtype=jnp.float32)
    params['gamma'] = jnp.ones((LATENT,), dtype=jnp.float32)
    params['beta'] = jnp.zeros((LATENT,), dtype=jnp.float32)
    return {'x': x, 'edge_index': edge_index, 'edge_attr': edge_attr, **params}


def _batch_norm(h, gamma, beta, eps=1e-5):
    mu = jnp.mean(h, axis=0, keepdims=True)
    var = jnp.var(h, axis=0, keepdims=True)
    return gamma * (h - mu) / jnp.sqrt(var + eps) + beta


def reference(x, edge_index, edge_attr, W1, b1, W2, b2, W3, b3, Wout, bout, gamma, beta):
    # scatter_mean(edge_attr, edge_index[0], dim=0, dim_size=N)
    src = edge_index[0]
    sums = jax.ops.segment_sum(edge_attr, src, num_segments=N_NODES)
    counts = jax.ops.segment_sum(jnp.ones((edge_attr.shape[0],), dtype=edge_attr.dtype), src, num_segments=N_NODES)
    edge_agg = sums / jnp.maximum(counts, 1.0)[:, None]
    h = jnp.concatenate([x, edge_agg], axis=-1)
    for (W, b) in ((W1, b1), (W2, b2), (W3, b3)):
        h = h @ W + b
        h = jax.nn.relu(h)
        # dropout is identity in inference mode
        h = _batch_norm(h, gamma, beta)
    out = h @ Wout + bout
    return out

if __name__ == "__main__":
    import jax
    _d = setup_inputs()
    print(jax.jit(kernel)(*tuple(_d.values())))

</pallas_src>

<mosaic_0001>
#map = affine_map<(d0, d1) -> (0, 0)>
#map1 = affine_map<(d0, d1) -> (0, 0, 0, 0)>
module attributes {stable_mosaic.version = 14 : i64} {
  func.func @_sc_counts_body(%arg0: i32, %arg1: i32, %arg2: memref<2560x128xi32, #tpu.memory_space<hbm>>, %arg3: memref<2x16x625x16xf32, #tpu.memory_space<hbm>>, %arg4: memref<80x128xi32, #tpu.memory_space<vmem>>, %arg5: memref<128x16xf32, #tpu.memory_space<vmem>>, %arg6: memref<633x16xf32, #tpu.memory_space<vmem>>, %arg7: memref<10128x16xf32, #tpu.memory_space<vmem_shared>>) attributes {dimension_semantics = [#tpu.dimension_semantics<core_parallel>, #tpu.dimension_semantics<subcore_parallel>], iteration_bounds = array<i64: 2, 16>, scalar_prefetch = 0 : i64, scratch_operands = 4 : i64, tpu.core_type = #tpu.core_type<sc_vector_subcore>, window_params = [{transform_indices = #map}, {transform_indices = #map1}]} {
    %mul3A = arith.constant 16 : i32
    %mul3A_0 = arith.muli %arg0, %mul3A : i32
    %add3A = arith.addi %mul3A_0, %arg1 : i32
    %broadcast_in_dim3A = arith.constant 1.000000e+00 : f32
    %broadcast_in_dim3A_1 = vector.broadcast %broadcast_in_dim3A : f32 to vector<16xf32>
    %scan3A = arith.constant 0 : i32
    %scan3A_2 = arith.constant 0 : i32
    %scan3A_3 = arith.constant 128 : i32
    %scan3A_4 = arith.addi %scan3A_2, %scan3A_3 : i32
    %scan3A_5 = arith.constant 1 : i32
    scf.for %scan3A_28 = %scan3A_2 to %scan3A_4 step %scan3A_5  : i32 {
      %swap3A = arith.index_cast %scan3A_28 : i32 to index
      %swap3A_29 = arith.constant 0 : index
      %swap3A_30 = tpu.vector_load %arg5[%swap3A, %swap3A_29] {strides = array<i32>} : memref<128x16xf32, #tpu.memory_space<vmem>>, vector<1x16xf32>,
      %swap3A_31 = vector.shape_cast %swap3A_30 : vector<1x16xf32> to vector<16xf32>
      %swap3A_32 = vector.shape_cast %broadcast_in_dim3A_1 : vector<16xf32> to vector<1x16xf32>
      tpu.vector_store %arg5[%swap3A, %swap3A_29], %swap3A_32 {strides = array<i32>} : memref<128x16xf32, #tpu.memory_space<vmem>>, vector<1x16xf32>,
    }
    %scan3A_6 = arith.constant 128 : i32
    %broadcast_in_dim3A_7 = arith.constant 0.000000e+00 : f32
    %broadcast_in_dim3A_8 = vector.broadcast %broadcast_in_dim3A_7 : f32 to vector<16xf32>
    %scan3A_9 = arith.constant 0 : i32
    %scan3A_10 = arith.constant 0 : i32
    %scan3A_11 = arith.constant 633 : i32
    %scan3A_12 = arith.addi %scan3A_10, %scan3A_11 : i32
    %scan3A_13 = arith.constant 1 : i32
    scf.for %scan3A_28 = %scan3A_10 to %scan3A_12 step %scan3A_13  : i32 {
      %swap3A = arith.index_cast %scan3A_28 : i32 to index
      %swap3A_29 = arith.constant 0 : index
      %swap3A_30 = tpu.vector_load %arg6[%swap3A, %swap3A_29] {strides = array<i32>} : memref<633x16xf32, #tpu.memory_space<vmem>>, vector<1x16xf32>,
      %swap3A_31 = vector.shape_cast %swap3A_30 : vector<1x16xf32> to vector<16xf32>
      %swap3A_32 = vector.shape_cast %broadcast_in_dim3A_8 : vector<16xf32> to vector<1x16xf32>
      tpu.vector_store %arg6[%swap3A, %swap3A_29], %swap3A_32 {strides = array<i32>} : memref<633x16xf32, #tpu.memory_space<vmem>>, vector<1x16xf32>,
    }
    %scan3A_14 = arith.constant 633 : i32
    %mul3A_15 = arith.constant 633 : i32
    %mul3A_16 = arith.muli %arg1, %mul3A_15 : i32
    "tpu.region"() ({
      %run_scoped3A = tpu.sem_alloc : memref<!tpu.dma_semaphore, #tpu.memory_space<semaphore_mem>>
      %dma_start3A = arith.constant 0 : i32
      %dma_start3A_28 = tpu.memref_slice %arg7[%mul3A_16, %dma_start3A] : memref<10128x16xf32, #tpu.memory_space<vmem_shared>> -> memref<633x16xf32, #tpu.memory_space<vmem_shared>>
      %dma_start3A_29 = arith.constant 0 : i32
      %dma_start3A_30 = tpu.memref_slice %arg7[%mul3A_16, %dma_start3A_29] : memref<10128x16xf32, #tpu.memory_space<vmem_shared>> -> memref<633x16xf32, #tpu.memory_space<vmem_shared>>
      tpu.enqueue_dma source(%arg6 : memref<633x16xf32, #tpu.memory_space<vmem>>) target(%dma_start3A_30 : memref<633x16xf32, #tpu.memory_space<vmem_shared>>) target_semaphore(%run_scoped3A : memref<!tpu.dma_semaphore, #tpu.memory_space<semaphore_mem>>)
      %dma_wait3A = arith.constant 0 : i32
      %dma_wait3A_31 = tpu.memref_slice %arg7[%mul3A_16, %dma_wait3A] : memref<10128x16xf32, #tpu.memory_space<vmem_shared>> -> memref<633x16xf32, #tpu.memory_space<vmem_shared>>
      %dma_wait3A_32 = arith.constant 0 : i32
      %dma_wait3A_33 = tpu.memref_slice %arg7[%mul3A_16, %dma_wait3A_32] : memref<10128x16xf32, #tpu.memory_space<vmem_shared>> -> memref<633x16xf32, #tpu.memory_space<vmem_shared>>
      tpu.wait_dma2 semaphore(%run_scoped3A : memref<!tpu.dma_semaphore, #tpu.memory_space<semaphore_mem>>) src(%arg6 : memref<633x16xf32, #tpu.memory_space<vmem>>) dst(%dma_wait3A_33 : memref<633x16xf32, #tpu.memory_space<vmem_shared>>)
      tpu.yield
    }) : () -> ()
    %mul3A_17 = arith.constant 80 : i32
    %mul3A_18 = arith.muli %add3A, %mul3A_17 : i32
    "tpu.region"() ({
      %run_scoped3A = tpu.sem_alloc : memref<!tpu.dma_semaphore, #tpu.memory_space<semaphore_mem>>
      %dma_start3A = arith.constant 0 : i32
      %dma_start3A_28 = tpu.memref_slice %arg2[%mul3A_18, %dma_start3A] : memref<2560x128xi32, #tpu.memory_space<hbm>> -> memref<80x128xi32, #tpu.memory_space<hbm>>
      %dma_start3A_29 = arith.constant 0 : i32
      %dma_start3A_30 = tpu.memref_slice %arg2[%mul3A_18, %dma_start3A_29] : memref<2560x128xi32, #tpu.memory_space<hbm>> -> memref<80x128xi32, #tpu.memory_space<hbm>>
      tpu.enqueue_dma source(%dma_start3A_30 : memref<80x128xi32, #tpu.memory_space<hbm>>) target(%arg4 : memref<80x128xi32, #tpu.memory_space<vmem>>) target_semaphore(%run_scoped3A : memref<!tpu.dma_semaphore, #tpu.memory_space<semaphore_mem>>)
      %dma_wait3A = arith.constant 0 : i32
      %dma_wait3A_31 = tpu.memref_slice %arg2[%mul3A_18, %dma_wait3A] : memref<2560x128xi32, #tpu.memory_space<hbm>> -> memref<80x128xi32, #tpu.memory_space<hbm>>
      %dma_wait3A_32 = arith.constant 0 : i32
      %dma_wait3A_33 = tpu.memref_slice %arg2[%mul3A_18, %dma_wait3A_32] : memref<2560x128xi32, #tpu.memory_space<hbm>> -> memref<80x128xi32, #tpu.memory_space<hbm>>
      tpu.wait_dma2 semaphore(%run_scoped3A : memref<!tpu.dma_semaphore, #tpu.memory_space<semaphore_mem>>) src(%dma_wait3A_33 : memref<80x128xi32, #tpu.memory_space<hbm>>) dst(%arg4 : memref<80x128xi32, #tpu.memory_space<vmem>>)
      tpu.yield
    }) : () -> ()
    %barrier3A = arith.constant 0 : index
    tpu.barrier barrier_id(%barrier3A)
    %scan3A_19 = arith.constant 0 : i32
    %scan3A_20 = arith.constant 0 : i32
    %scan3A_21 = arith.constant 80 : i32
    %scan3A_22 = arith.addi %scan3A_20, %scan3A_21 : i32
    %scan3A_23 = arith.constant 1 : i32
    scf.for %scan3A_28 = %scan3A_20 to %scan3A_22 step %scan3A_23  : i32 {
      "tpu.region"() ({
        %run_scoped3A = tpu.sem_alloc : memref<!tpu.dma_semaphore, #tpu.memory_space<semaphore_mem>>
        %dma_start3A = arith.constant 0 : i32
        %dma_start3A_29 = tpu.memref_slice %arg4[%scan3A_28, %dma_start3A] : memref<80x128xi32, #tpu.memory_space<vmem>> -> memref<1x128xi32, #tpu.memory_space<vmem>>
        %dma_start3A_30 = tpu.memref_squeeze %dma_start3A_29 : memref<1x128xi32, #tpu.memory_space<vmem>> -> memref<128xi32, #tpu.memory_space<vmem>>
        %dma_start3A_31 = arith.constant 0 : i32
        %dma_start3A_32 = arith.constant 0 : i32
        %dma_start3A_33 = tpu.memref_slice %arg7[%dma_start3A_31, %dma_start3A_32] : memref<10128x16xf32, #tpu.memory_space<vmem_shared>> -> memref<10128x16xf32, #tpu.memory_space<vmem_shared>>
        tpu.enqueue_indirect_dma source(%arg5 : memref<128x16xf32, #tpu.memory_space<vmem>>) target(%dma_start3A_33 : memref<10128x16xf32, #tpu.memory_space<vmem_shared>>) offsets(%dma_start3A_30 : memref<128xi32, #tpu.memory_space<vmem>>) semaphore(%run_scoped3A : memref<!tpu.dma_semaphore, #tpu.memory_space<semaphore_mem>>) {add = true}
        %dma_wait3A = arith.constant 0 : i32
        %dma_wait3A_34 = tpu.memref_slice %arg4[%scan3A_28, %dma_wait3A] : memref<80x128xi32, #tpu.memory_space<vmem>> -> memref<1x128xi32, #tpu.memory_space<vmem>>
        %dma_wait3A_35 = tpu.memref_squeeze %dma_wait3A_34 : memref<1x128xi32, #tpu.memory_space<vmem>> -> memref<128xi32, #tpu.memory_space<vmem>>
        %dma_wait3A_36 = arith.constant 0 : i32
        %dma_wait3A_37 = arith.constant 0 : i32
        %dma_wait3A_38 = tpu.memref_slice %arg7[%dma_wait3A_36, %dma_wait3A_37] : memref<10128x16xf32, #tpu.memory_space<vmem_shared>> -> memref<10128x16xf32, #tpu.memory_space<vmem_shared>>
        tpu.wait_indirect_dma semaphore(%run_scoped3A : memref<!tpu.dma_semaphore, #tpu.memory_space<semaphore_mem>>) src(%arg5 : memref<128x16xf32, #tpu.memory_space<vmem>>) dst(%dma_wait3A_38 : memref<10128x16xf32, #tpu.memory_space<vmem_shared>>)
        tpu.yield
      }) : () -> ()
    }
    %scan3A_24 = arith.constant 80 : i32
    %barrier3A_25 = arith.constant 0 : index
    tpu.barrier barrier_id(%barrier3A_25)
    %mul3A_26 = arith.constant 625 : i32
    %mul3A_27 = arith.muli %arg1, %mul3A_26 : i32
    "tpu.region"() ({
      %run_scoped3A = tpu.sem_alloc : memref<!tpu.dma_semaphore, #tpu.memory_space<semaphore_mem>>
      %dma_start3A = arith.constant 0 : i32
      %dma_start3A_28 = arith.constant 0 : i32
      %dma_start3A_29 = tpu.memref_slice %arg3[%arg0, %arg1, %dma_start3A, %dma_start3A_28] : memref<2x16x625x16xf32, #tpu.memory_space<hbm>> -> memref<1x1x625x16xf32, #tpu.memory_space<hbm>>
      %dma_start3A_30 = tpu.memref_squeeze %dma_start3A_29 : memref<1x1x625x16xf32, #tpu.memory_space<hbm>> -> memref<625x16xf32, #tpu.memory_space<hbm>>
      %dma_start3A_31 = arith.constant 0 : i32
      %dma_start3A_32 = tpu.memref_slice %arg7[%mul3A_27, %dma_start3A_31] : memref<10128x16xf32, #tpu.memory_space<vmem_shared>> -> memref<625x16xf32, #tpu.memory_space<vmem_shared>>
      tpu.enqueue_dma source(%dma_start3A_32 : memref<625x16xf32, #tpu.memory_space<vmem_shared>>) target(%dma_start3A_30 : memref<625x16xf32, #tpu.memory_space<hbm>>) target_semaphore(%run_scoped3A : memref<!tpu.dma_semaphore, #tpu.memory_space<semaphore_mem>>)
      %dma_wait3A = arith.constant 0 : i32
      %dma_wait3A_33 = arith.constant 0 : i32
      %dma_wait3A_34 = tpu.memref_slice %arg3[%arg0, %arg1, %dma_wait3A, %dma_wait3A_33] : memref<2x16x625x16xf32, #tpu.memory_space<hbm>> -> memref<1x1x625x16xf32, #tpu.memory_space<hbm>>
      %dma_wait3A_35 = tpu.memref_squeeze %dma_wait3A_34 : memref<1x1x625x16xf32, #tpu.memory_space<hbm>> -> memref<625x16xf32, #tpu.memory_space<hbm>>
      %dma_wait3A_36 = arith.constant 0 : i32
      %dma_wait3A_37 = tpu.memref_slice %arg7[%mul3A_27, %dma_wait3A_36] : memref<10128x16xf32, #tpu.memory_space<vmem_shared>> -> memref<625x16xf32, #tpu.memory_space<vmem_shared>>
      tpu.wait_dma2 semaphore(%run_scoped3A : memref<!tpu.dma_semaphore, #tpu.memory_space<semaphore_mem>>) src(%dma_wait3A_37 : memref<625x16xf32, #tpu.memory_space<vmem_shared>>) dst(%dma_wait3A_35 : memref<625x16xf32, #tpu.memory_space<hbm>>)
      tpu.yield
    }) : () -> ()
    return
  }
}

</mosaic_0001>

<sc_bundles>
// kernel: _sc_counts.3.cloned.1.call-start
scs
__scs_entry_jumppad:
0x0: {  	(pc) =	sbr.rel $0x88, $3  }
0x1: {  	(tag) =	ssettag $0x0;
	lr =	simm.s32 $0x1  }
0x2: {  	[smem:$0x3FA0] =	sst lr;
	_ =	strace $0xD0000000  }
0x3: {  	_ = 	snop  }
0x4: {  	_ = 	snop  }
0x5: {  	_ = 	snop  }
0x6: {  	_ = 	snop  }
0x7: {  	_ = 	snop  }
__scs_overlays_trampoline_lowered:
0x8: {  	[smem:$0x3FAF] =	sst s0  }
0x9: {  	[smem:$0x3FB0] =	sst s1  }
0xa: {  	[smem:$0x3FB1] =	sst s2  }
0xb: {  	[smem:$0x3FB2] =	sst s3  }
0xc: {  	[smem:$0x3FB3] =	sst s4  }
0xd: {  	[smem:$0x3FB4] =	sst s5  }
0xe: {  	[smem:$0x3FB5] =	sst s6  }
0xf: {  	[smem:$0x3FB6] =	sst s7  }
0x10: {  	[smem:$0x3FB7] =	sst s8  }
0x11: {  	[smem:$0x3FB8] =	sst s9;
	s0 =	simm.s32 @!p0 $0x0  }
0x12: {  	s1 =	sld [smem:$0x3F9E];
	s0 =	simm.s32 @p0 $0x1  }
0x13: {  	[smem:$0x3FB9] =	sst s0;
	s0 =	simm.s32 @!p1 $0x0  }
0x14: {  	s2 =	sld [smem:$0x3F9D];
	s0 =	simm.s32 @p1 $0x1  }
0x15: {  	[smem:$0x3FBA] =	sst s0;
	s0 =	simm.s32 @!p2 $0x0  }
0x16: {  	s3 =	sld [smem:$0x3FDB];
	s0 =	simm.s32 @p2 $0x1  }
0x17: {  	s4 =	simm.s32 $0x1BF5;
	[smem:$0x3FBC] =	sst s0  }
0x18: {  	s0 =	sld [smem:$0x3F9F];
	_ =	swait.ge [sflag:s4], $0x0  }
0x19: {  	s7 =	sld [smem:$0x3FA0]  }
0x1a: {  	s8 =	sadd.s32 $0xFFFFE003, lr  }
0x1b: {  	s9 =	sadd.s32 $0xFFFFFEF7, lr;
	s5 =	simm.s32 $0xFFFFFFFF;
	p2 =	slt.u32 s8, $0xFFFFF086  }
0x1c: {  	p1 =	slt.u32 s9, $0xF7A;
	s5 =	simm.s32 @!p2 $0x0  }
0x1d: {  	s5 =	simm.s32 @p1 $0x1;
	p0 =	seq.s32 s7, s2  }
0x1e: {  	s7 =	smul.u32 @!p0 $0xF7A, s2;
	p2 =	seq.s32 @!p0 s5, $0x0  }
0x1f: {  	s9 =	smul.u32 $0xF7A, s1;
	s8 =	simm.s32 @!p0 $0x1BF5;
	p2 =	por !p2, p0  }
0x20: {  	[sflag:s8] =	ssyncset.s32 @!p0 $0xFFFFF086;
	s6 =	sadd.s32 @!p0 s3, s7;
	s7 =	simm.s32 @!p0 $0x108  }
0x21: {  	s3 =	sadd.s32 s3, s9;
	s6 =	sadd.s32 @!p0 $0x88, s6;
	s7 =	simm.s32 @p2 $0x1082  }
0x22: {  	[simem:s7], [sflag:s8] =	dma.local @!p0 [hbm:s6], $0xF7A  }
0x23: {  	s9 =	sor.u32 $0xD0000000, s2;
	s6 =	simm.s32 $0x108;
	_ =	swait.ge @!p0 [sflag:s8], $0x0  }
0x24: {  	s3 =	sadd.s32 $0x88, s3;
	s6 =	simm.s32 @!p1 $0x1082;
	[sflag:s4] =	ssyncset.s32 $0xFFFFF086  }
0x25: {  	[simem:s6], [sflag:s4] =	dma.local [hbm:s3], $0xF7A  }
0x26: {  	[smem:$0x3FA0] =	sst s1;
	(tag) =	ssettag s2;
	_ =	strace s9  }
0x27: {  	s1 =	sld [smem:$0x3FB0]  }
0x28: {  	s2 =	sld [smem:$0x3FB1]  }
0x29: {  	s4 =	sld [smem:$0x3FB3]  }
0x2a: {  	p0 =	seq.s32 s5, $0x0;
	s5 =	sld [smem:$0x3FB4]  }
0x2b: {  	s6 =	sld [smem:$0x3FB5]  }
0x2c: {  	s7 =	sld [smem:$0x3FB6]  }
0x2d: {  	s3 =	simm.s32 $0x108;
	s8 =	sld [smem:$0x3FB7]  }
0x2e: {  	s3 =	simm.s32 @!p0 $0x1082;
	s9 =	sld [smem:$0x3FB8]  }
0x2f: {  	lr =	sadd.s32 s0, s3;
	s0 =	sld [smem:$0x3FAF]  }
0x30: {  	s3 =	sld [smem:$0x3FB2]  }
0x31: {  	[smem:$0x3FBB] =	sst s10  }
0x32: {  	s10 =	sld [smem:$0x3FB9];
	_ =	sdelay $0x3  }
0x33: {  	p0 =	seq.s32 s10, $0x1;
	s10 =	sld [smem:$0x3FBB];
	_ =	sdelay $0x3  }
0x34: {  	[smem:$0x3FBB] =	sst s10  }
0x35: {  	s10 =	sld [smem:$0x3FBA];
	_ =	sdelay $0x3  }
0x36: {  	p1 =	seq.s32 s10, $0x1;
	s10 =	sld [smem:$0x3FBB];
	_ =	sdelay $0x3  }
0x37: {  	[smem:$0x3FBB] =	sst s10  }
0x38: {  	s10 =	sld [smem:$0x3FBC]  }
0x39: {  	_ = 	snop;
	(pc) =	sbr.ind lr, $3  }
0x3a: {  	_ = 	snop  }
0x3b: {  	_ = 	snop  }
0x3c: {  	p2 =	seq.s32 s10, $0x1;
	s10 =	sld [smem:$0x3FBB]  }
0x3d: {  	_ =	shalt  }
0x3e: {  	_ =	shalt  }
0x3f: {  	_ =	shalt  }
0x40: {  	_ =	shalt  }
0x41: {  	_ =	shalt  }
0x42: {  	_ =	shalt  }
0x43: {  	_ =	shalt  }
0x44: {  	_ =	shalt  }
0x45: {  	_ =	shalt  }
0x46: {  	_ =	shalt  }
0x47: {  	_ =	shalt  }
0x48: {  	_ =	shalt  }
0x49: {  	_ =	shalt  }
0x4a: {  	_ =	shalt  }
0x4b: {  	_ =	shalt  }
0x4c: {  	_ =	shalt  }
0x4d: {  	_ =	shalt  }
0x4e: {  	_ =	shalt  }
0x4f: {  	_ =	shalt  }
0x50: {  	_ =	shalt  }
0x51: {  	_ =	shalt  }
0x52: {  	_ =	shalt  }
0x53: {  	_ =	shalt  }
0x54: {  	_ =	shalt  }
0x55: {  	_ =	shalt  }
0x56: {  	_ =	shalt  }
0x57: {  	_ =	shalt  }
0x58: {  	_ =	shalt  }
0x59: {  	_ =	shalt  }
0x5a: {  	_ =	shalt  }
0x5b: {  	_ =	shalt  }
0x5c: {  	_ =	shalt  }
0x5d: {  	_ =	shalt  }
0x5e: {  	_ =	shalt  }
0x5f: {  	_ =	shalt  }
0x60: {  	_ =	shalt  }
0x61: {  	_ =	shalt  }
0x62: {  	_ =	shalt  }
0x63: {  	_ =	shalt  }
0x64: {  	_ =	shalt  }
0x65: {  	_ =	shalt  }
0x66: {  	_ =	shalt  }
0x67: {  	_ =	shalt  }
0x68: {  	_ =	shalt  }
0x69: {  	_ =	shalt  }
0x6a: {  	_ =	shalt  }
0x6b: {  	_ =	shalt  }
0x6c: {  	_ =	shalt  }
0x6d: {  	_ =	shalt  }
0x6e: {  	_ =	shalt  }
0x6f: {  	_ =	shalt  }
0x70: {  	_ =	shalt  }
0x71: {  	_ =	shalt  }
0x72: {  	_ =	shalt  }
0x73: {  	_ =	shalt  }
0x74: {  	_ =	shalt  }
0x75: {  	_ =	shalt  }
0x76: {  	_ =	shalt  }
0x77: {  	_ =	shalt  }
0x78: {  	_ =	shalt  }
0x79: {  	_ =	shalt  }
0x7a: {  	_ =	shalt  }
0x7b: {  	_ =	shalt  }
0x7c: {  	_ =	shalt  }
0x7d: {  	_ =	shalt  }
0x7e: {  	_ =	shalt  }
0x7f: {  	_ =	shalt  }
0x80: {  	_ =	shalt  }
0x81: {  	_ =	shalt  }
0x82: {  	_ =	shalt  }
0x83: {  	_ =	shalt  }
0x84: {  	_ =	shalt  }
0x85: {  	_ =	shalt  }
0x86: {  	_ =	shalt  }
0x87: {  	_ =	shalt  }
.Lfunc_end0:
.L_simem_size_0:
called_computation_lowered:
.L_overlay_start_0:
0x88: {  	s2 =	sld [smem:$0x3FD9]  }
0x89: {  	s3 =	sld [smem:$0x3FFE];
	_ =	sdelay $0x1  }
0x8a: {  	s1 =	srdreg.scid  }
0x8b: {  	s0 =	sand.u32 $0x1, s1  }
0x8c: {  	s18 =	sshll.u32 s0, $0xA;
	s2 =	sadd.s32 s3, s2  }
0x8d: {  	s2 =	sadd.s32 s2, s18  }
0x8e: {  	[smem:$0x3FC7] =	sst s2  }
0x8f: {  	_ = 	snop  }
0x90: {  	s2 =	sld [smem:$0x3FC9]  }
0x91: {  	s19 =	sld [smem:$0x3FD0];
	(tm) =	ssettm $0x1  }
0x92: {  	s4 =	sld [smem:$0x3FFB];
	_ =	sdelay $0x3  }
0x93: {  	_ =	strace s4  }
0x94: {  	s4 =	sld [smem:$0x3FFC];
	_ =	sdelay $0x3  }
0x95: {  	_ =	strace s4  }
0x96: {  	s4 =	sld [smem:$0x3FFD];
	_ =	sdelay $0x3  }
0x97: {  	_ =	strace s4  }
0x98: {  	_ =	strace $0x8FFFFFFF  }
0x99: {  	s20 =	sld [smem:$0x3FDB];
	_ =	sdelay $0x1  }
0x9a: {  	s5 =	simm.s32 $_scs_section_size  }
0x9b: {  	s6 =	simm.s32 $_size__tile_overlayer_lowered;
	s7 =	simm.s32 $_tile_overlayer_lowered  }
0x9c: {  	s23 =	simm.s32 $0x1BFF;
	s22 =	sshll.u32 s7, $0x1;
	s4 =	sadd.s32 s5, s20  }
0x9d: {  	s8 =	simm.s32 $0x0;
	s21 =	sshll.u32 s6, $0x1;
	s6 =	sadd.s32 s22, s4  }
0x9e: {  	[timem:s8], [sflag:s23] =	dma.local [hbm:s6], s21  }
0x9f: {  	_ =	swait.ge [sflag:s23], s21  }
0xa0: {  	s5 =	ssub.s32 $0x0, s21;
	[sflag:s23] =	ssyncset.done $0x0  }
0xa1: {  	[sflag:s23] =	ssyncadd.s32 s5;
	_ =	sdelay $0x1  }
0xa2: {  	s24 =	simm.s32 $0x1B8B  }
0xa3: {  	_ =	swait.ge [sflag:s24], $0x1  }
0xa4: {  	[sflag:s24] =	ssyncset.done $0x0  }
0xa5: {  	s25 =	simm.s32 $0x1B8E;
	[sflag:s24] =	ssyncadd.s32 $0xFFFFFFFF  }
0xa6: {  	s26 =	simm.s32 $execute0_lowered;
	[smem:$0x3FD2] =	sst s25  }
0xa7: {  	s5 =	sshll.u32 s26, $0x1;
	_ =	strace $0x80000046;
	[dreg:$0x1] =	wrdreg $0xFFFFFFFF  }
0xa8: {  	s28 =	simm.s32 $_size_execute0_lowered;
	s4 =	sadd.s32 s4, s5;
	[dreg:$0x0] =	wrdreg $0x0  }
0xa9: {  	s5 =	sshll.u32 s28, $0x1;
	[dreg:$0x2] =	wrdreg s4  }
0xaa: {  	[dreg:$0x3] =	wrdreg s5  }
0xab: {  	[dreg:$0x4] =	wrdreg $0xC0  }
0xac: {  	_ =	task [dreg:s8], $0x5FFFF  }
0xad: {  	[dreg:$0x1] =	wrdreg $0xFFFFFFFF  }
0xae: {  	[dreg:$0x0] =	wrdreg $0x60  }
0xaf: {  	[dreg:$0x2] =	wrdreg s2  }
0xb0: {  	[dreg:$0x3] =	wrdreg s19  }
0xb1: {  	[dreg:$0x4] =	wrdreg $0x57900  }
0xb2: {  	[dreg:$0x5] =	wrdreg $0x9  }
0xb3: {  	_ =	task.clear_ibuf [dreg:s8], $0x6FFFF;
	_ =	strace $0x90000046  }
0xb4: {  	s29 =	simm.s32 $0x9;
	_ =	strace $0x80000048  }
0xb5: {  	_ =	swait.ge [sflag:s29], $0x1  }
0xb6: {  	[sflag:s29] =	ssyncadd.s32 $0xFFFFFFFF  }
0xb7: {  	_ =	strace $0x90000048  }
0xb8: {  	_ =	sfence  }
0xb9: {  	s30 =	sld [smem:$0x0];
	_ =	sdelay $0x2  }
0xba: {  	s31 =	sshll.u32 s1, $0xD;
	s1 =	sshrl.u32 s1, $0x2  }
0xbb: {  	s3 =	sand.u32 $0x4000, s31;
	s1 =	sadd.s32 s1, s30  }
0xbc: {  	s0 =	sor.u32 s3, s0;
	s1 =	sshll.u32 s1, $0x11  }
0xbd: {  	s0 =	sor.u32 s1, s0  }
0xbe: {  	s0 =	sadd.s32 $0x8F2B, s0  }
0xbf: {  	[sflag:s0] =	ssyncadd.remote.s32 $0x1  }
0xc0: {  	_ =	sfence.sel $0xFFFF  }
0xc1: {  	[dreg:$0x0] =	wrdreg $0xFFFFFFFF;
	(pc) =	sbr.abs _section_cstart, $3  }
0xc2: {  	[dreg:$0x1] =	wrdreg $0xFFFFFFFF  }
0xc3: {  	_ =	task.clear_ibuf [dreg:s8], $0x2FFFF;
	_ =	strace $0x9FFFFFFF  }
0xc4: {  	(tm) =	ssettm $0x7FFFFFFF  }
0xc5: {  	_ =	shalt  }
tec
execute0_lowered:
.L_overlay_start_1:
0x0: {  	(tag) =	ssettag $0x1  }
0x1: {  	s5 =	rddreg [dreg:$0x0]  }
0x2: {  	s6 =	rddreg [dreg:$0x1]  }
0x3: {  	s2 =	rddreg [dreg:$0x2];
	s1 =	stileid.u32  }
0x4: {  	s0 =	rddreg [dreg:$0x3];
	s7 =	smul.u32 $0x9E40, s1  }
0x5: {  	s4 =	srdreg.scid;
	s3 =	simm.s32 $0x0;
	s10 =	smul.u32 $0x2710, s1  }
0x6: {  	s4 =	sand.u32 $0x1, s4;
	[smem:$0x7FF] =	sst s3;
	s29 =	smul.u32 $0x9C40, s1  }
0x7: {  	s12 =	sshll.u32 s1, $0x6;
	s8 =	sshll.u32 s4, $0x4;
	s9 =	smul.u32 $0x27100, s4  }
0x8: {  	s4 =	ssub.s32 $0x2, s4;
	_ =	strace $0x80000047;
	s12 =	sor.u32 $0x1C01, s12  }
0x9: {  	s8 =	sor.u32 s1, s8;
	s11 =	sshrl.u32 s4, $0x1;
	s7 =	sshrl.u32 s7, $0x2  }
0xa: {  	s31 =	sshrl.u32 s29, $0x2;
	s8 =	smul.u32 $0x500, s8;
	s9 =	sadd.s32 s10, s9  }
0xb: {  	s11 =	ssub.s32 s4, s11;
	s4 =	sadd.s32 s7, s2;
	s13 =	sadd.s32 s31, s2  }
0xc: {  	s10 =	simm.s32 $0x80;
	s30 =	sshrl.u32 s9, $0x3;
	s7 =	smax.u32 s11, $0x1  }
0xd: {  	s9 =	simm.s32 $0x1;
	s11 =	simm.s32 $0x2800;
	s13 =	sshrl.u32 s13, $0x3  }
0xe: {  	v0 =	vimm.f32 $1.000000000e+00;
	v1 =	vimm.f32 $0.0e+00;
	s5 =	sadd.s32 s5, s8;
	s6 =	sadd.s32 s6, s30;
	s8 =	simm.s32 $0x3000  }
.LBB2_1:
0xf: {  	s14 =	simm.s32 $0x0  }
.LBB2_2:
0x10: {  	p0 =	sne.s32 s14, $0x1FC0  }
.Ltmp0:
0x11: {  	_ = 	snop;
	(pc) =	sbr.rel @p0 .LBB2_2-.Ltmp0, $3  }
0x12: {  	_ =	sdelay $0x1  }
0x13: {  	s15 =	sshra.s32 s14, $0x2  }
0x14: {  	s14 =	sadd.s32 $0x40, s14;
	[tilespmem:s15+$0x2800] =	vst v0  }
0x15: {  	s14 =	simm.s32 $0x40;
	s15 =	simm.s32 $0x0  }
.LBB2_4:
0x16: {  	p0 =	sne.s32 s14, $0x9E00;
	[tilespmem:s15+$0x3000] =	vst v1;
	s15 =	smov.u32 s14;
	s14 =	sadd.s32 $0x40, s14  }
.Ltmp1:
0x17: {  	(pc) =	sbr.rel @p0 .LBB2_4-.Ltmp1, $2  }
0x18: {  	_ =	sdelay $0x2  }
0x19: {  	s15 =	sshra.s32 s15, $0x2  }
0x1a: {  	[tilespmem:s15+$0x3000] =	vst v1  }
0x1b: {  	[spmem:s4] =	stream.linear.scatter [tilespmem:s8], [sflag:$0x1], $0x2790, $0x38;
	[tilespmem:$0x7F20] =	vst v63  }
0x1c: {  	_ =	swait.ge [sflag:s9], $0x2790  }
0x1d: {  	[sflag:s9] =	ssyncset.done $0x0  }
0x1e: {  	s14 =	simm.s32 $0x0;
	[sflag:s9] =	ssyncadd.s32 $0xFFFFD870  }
0x1f: {  	[tilespmem:s14], [sflag:$0x1] =	stream.linear.gather [hbm4b:s5+s14], $0x2800, $0x38;
	[tilespmem:$0x7F20] =	vst v63  }
0x20: {  	_ =	swait.ge [sflag:s9], $0x2800  }
0x21: {  	[sflag:s9] =	ssyncset.done $0x0  }
0x22: {  	[sflag:s9] =	ssyncadd.s32 $0xFFFFD800  }
0x23: {  	s31 =	simm.s32 $0x0;
	[bflag:$0x0] =	sbarrier.arrive $0xFFFF  }
0x24: {  	[spmem:s2] =	stream.indirect.scatter.add.f32 [tilespmem:s11], [sflag:$0x1], $0x10, s31, s10, $0xb8;
	[tilespmem:$0x7F20] =	vst v63  }
0x25: {  	_ =	swait.ge [sflag:s9], $0x800  }
0x26: {  	s14 =	simm.s32 $0x200;
	[sflag:s9] =	ssyncset.done $0x0  }
.LBB2_6:
0x27: {  	s15 =	sshra.s32 s14, $0x2;
	[sflag:s9] =	ssyncadd.s32 $0xFFFFF800;
	p0 =	sne.s32 s14, $0x9E00  }
0x28: {  	[spmem:s2] =	stream.indirect.scatter.add.f32 [tilespmem:s11], [sflag:$0x1], $0x10, s15, s10, $0xb8;
	[tilespmem:$0x7F20] =	vst v63  }
.Ltmp2:
0x29: {  	_ = 	snop;
	(pc) =	sbr.rel @p0 .LBB2_6-.Ltmp2, $4  }
0x2a: {  	_ = 	snop  }
0x2b: {  	s14 =	sadd.s32 $0x200, s14  }
0x2c: {  	_ =	swait.ge [sflag:s9], $0x800  }
0x2d: {  	[sflag:s9] =	ssyncset.done $0x0  }
0x2e: {  	s3 =	sadd.s32 $0x1, s3  }
0x2f: {  	[sflag:s9] =	ssyncadd.s32 $0xFFFFF800;
	p0 =	sne.s32 s3, s7  }
.Ltmp3:
0x30: {  	[bflag:$0x0] =	sbarrier.arrive $0xFFFF;
	(pc) =	sbr.rel @p0 .LBB2_1-.Ltmp3, $4  }
0x31: {  	[hbm:s6], [sflag:s12] =	dma.local [spmem:s13], $0x4E2  }
0x32: {  	_ =	swait.ge [sflag:s9], $0x4E2  }
0x33: {  	[sflag:s9] =	ssyncset.done $0x0  }
0x34: {  	[sflag:s9] =	ssyncadd.s32 $0xFFFFFB1E  }
0x35: {  	_ =	sfence.sel $0x180000  }
0x36: {  	[bflag:$0x0] =	sbarrier.arrive $0xFFFF  }
0x37: {  	p0 =	sne.s32 s1, $0x0;
	_ =	strace $0x90000047  }
0x38: {  	s0 =	sadd.s32 @!p0 $0x100000, s0;
	[bflag:$0x2] =	sbarrier.arrive $0xFFFF  }
0x39: {  	[sflag:s0] =	ssyncadd.tile.s32 @!p0 $0x1;
	_ =	shalt  }
.Lfunc_end2:
_tile_overlayer_lowered:
.L_overlay_start_2:
0x3a: {  	(tag) =	ssettag $0x2  }
0x3b: {  	s0 =	rddreg [dreg:$0x0];
	s2 =	stileid.u32  }
0x3c: {  	s1 =	rddreg [dreg:$0x1];
	p0 =	sne.s32 s2, $0x0  }
0x3d: {  	s3 =	rddreg [dreg:$0x2];
	[bflag:$0x3] =	sbarrier.arrive $0xFFFF;
	s2 =	simm.s32 @!p0 $0x1C01  }
0x3e: {  	[timem:s3], [sflag:s2] =	dma.local @!p0 [hbm:s0], s1  }
0x3f: {  	s0 =	simm.s32 @!p0 $0x1  }
0x40: {  	_ =	swait.ge @!p0 [sflag:s0], s1  }
0x41: {  	s1 =	ssub.s32 @!p0 $0x0, s1;
	[sflag:s0] =	ssyncset.done @!p0 $0x0  }
0x42: {  	[sflag:s0] =	ssyncadd.s32 @!p0 s1  }
0x43: {  	[bflag:$0x3] =	sbarrier.arrive $0xFFFF  }
0x44: {  	_ =	shalt  }

</sc_bundles>
